<compile_context>
chip_gen: v7x
topology: tpu7x:2x2x1
jax: 0.10.2.dev20260603
libtpu: 0.0.44.dev20260713+nightly
codegen_flags: <defaults>
</compile_context>

<pallas_src>
import functools

import jax
import jax.numpy as jnp
from jax import lax
from jax.experimental import pallas as pl
from jax.experimental.pallas import tpu as pltpu
from jax.experimental.pallas import tpu_sc as plsc

MAX_V = 3
D = 128
B = 16384
NC, NS, L = 2, 16, 16
NW = NC * NS
BPW = B // NW
CB = 128
NCH = BPW // CB

_mesh = plsc.VectorSubcoreMesh(
    core_axis_name="c", subcore_axis_name="s", num_cores=NC, num_subcores=NS)


@functools.partial(
    pl.kernel,
    out_type=jax.ShapeDtypeStruct((B, D), jnp.float32),
    mesh=_mesh,
    scratch_types=[
        pltpu.VMEM((MAX_V, D), jnp.float32),
        pltpu.VMEM((L,), jnp.int32),
        pltpu.VMEM((BPW, D), jnp.float32),
    ],
)
def _view_embed_kernel(gf_hbm, emb_hbm, idx_hbm, out_hbm, emb_v, idx_v, buf):
    wid = lax.axis_index("s") * NC + lax.axis_index("c")
    base = wid * BPW

    pltpu.sync_copy(emb_hbm, emb_v)
    pltpu.sync_copy(idx_hbm, idx_v)
    iv = idx_v[...]
    ev = []
    for j in range(D // L):
        r0 = emb_v[0, pl.ds(j * L, L)]
        r1 = emb_v[1, pl.ds(j * L, L)]
        r2 = emb_v[2, pl.ds(j * L, L)]
        ev.append(jnp.where(iv == 0, r0, jnp.where(iv == 1, r1, r2)))

    pltpu.sync_copy(gf_hbm.at[pl.ds(base, BPW)], buf)

    @plsc.parallel_loop(0, BPW, unroll=1)
    def _row(i):
        for j in range(D // L):
            sl = (i, pl.ds(j * L, L))
            buf[sl] = buf[sl] + ev[j]

    pltpu.sync_copy(buf, out_hbm.at[pl.ds(base, BPW)])


def kernel(global_feat, embeddings, view_idx):
    idx = jnp.full((L,), view_idx, dtype=jnp.int32)
    return _view_embed_kernel(global_feat, embeddings, idx)

# --- scband reference (transcript-rebuilt; emitter-appended) ---
"""Pipeline reference for scband-view-embedding-46265387712823 (READ-ONLY COPY).

The authoritative reference and input builder live on the scoring server;
editing this copy changes nothing except your own understanding.
"""

import jax, jax.numpy as jnp
import numpy as np

MAX_VIEWS = 3
FEAT_DIM = 128
BATCH = 16384


def setup_inputs(seed: int = 0) -> dict:
    key = jax.random.key(seed)
    k1, k2 = jax.random.split(key)
    global_feat = jax.random.normal(k1, (BATCH, FEAT_DIM), dtype=jnp.float32)
    embeddings = jax.random.normal(k2, (MAX_VIEWS, FEAT_DIM), dtype=jnp.float32)
    view_idx = 2
    return {"global_feat": global_feat, "embeddings": embeddings, "view_idx": view_idx}


def reference(global_feat, embeddings, view_idx):
    # emb = self.embeddings(torch.tensor(view_idx)) -> row gather from table
    emb = jnp.take(embeddings, jnp.asarray(view_idx, dtype=jnp.int32), axis=0)
    return global_feat + emb

if __name__ == "__main__":
    import jax
    _d = setup_inputs()
    print(jax.jit(kernel)(*tuple(_d.values())))

</pallas_src>

<mosaic_0001>
#map = affine_map<(d0, d1) -> (0, 0)>
#map1 = affine_map<(d0, d1) -> (0)>
module attributes {stable_mosaic.version = 14 : i64} {
  func.func @_view_embed_kernel(%arg0: i32, %arg1: i32, %arg2: memref<16384x128xf32, #tpu.memory_space<hbm>>, %arg3: memref<3x128xf32, #tpu.memory_space<hbm>>, %arg4: memref<16xi32, #tpu.memory_space<hbm>>, %arg5: memref<16384x128xf32, #tpu.memory_space<hbm>>, %arg6: memref<3x128xf32, #tpu.memory_space<vmem>>, %arg7: memref<16xi32, #tpu.memory_space<vmem>>, %arg8: memref<512x128xf32, #tpu.memory_space<vmem>>) attributes {dimension_semantics = [#tpu.dimension_semantics<core_parallel>, #tpu.dimension_semantics<subcore_parallel>], iteration_bounds = array<i64: 2, 16>, scalar_prefetch = 0 : i64, scratch_operands = 3 : i64, tpu.core_type = #tpu.core_type<sc_vector_subcore>, window_params = [{transform_indices = #map}, {transform_indices = #map}, {transform_indices = #map1}, {transform_indices = #map}]} {
    %mul3A = arith.constant 2 : i32
    %mul3A_0 = arith.muli %arg1, %mul3A : i32
    %add3A = arith.addi %mul3A_0, %arg0 : i32
    %mul3A_1 = arith.constant 512 : i32
    %mul3A_2 = arith.muli %add3A, %mul3A_1 : i32
    "tpu.region"() ({
      %run_scoped3A = tpu.sem_alloc : memref<!tpu.dma_semaphore, #tpu.memory_space<semaphore_mem>>
      tpu.enqueue_dma source(%arg3 : memref<3x128xf32, #tpu.memory_space<hbm>>) target(%arg6 : memref<3x128xf32, #tpu.memory_space<vmem>>) target_semaphore(%run_scoped3A : memref<!tpu.dma_semaphore, #tpu.memory_space<semaphore_mem>>)
      tpu.wait_dma2 semaphore(%run_scoped3A : memref<!tpu.dma_semaphore, #tpu.memory_space<semaphore_mem>>) src(%arg3 : memref<3x128xf32, #tpu.memory_space<hbm>>) dst(%arg6 : memref<3x128xf32, #tpu.memory_space<vmem>>)
      tpu.yield
    }) : () -> ()
    "tpu.region"() ({
      %run_scoped3A = tpu.sem_alloc : memref<!tpu.dma_semaphore, #tpu.memory_space<semaphore_mem>>
      tpu.enqueue_dma source(%arg4 : memref<16xi32, #tpu.memory_space<hbm>>) target(%arg7 : memref<16xi32, #tpu.memory_space<vmem>>) target_semaphore(%run_scoped3A : memref<!tpu.dma_semaphore, #tpu.memory_space<semaphore_mem>>)
      tpu.wait_dma2 semaphore(%run_scoped3A : memref<!tpu.dma_semaphore, #tpu.memory_space<semaphore_mem>>) src(%arg4 : memref<16xi32, #tpu.memory_space<hbm>>) dst(%arg7 : memref<16xi32, #tpu.memory_space<vmem>>)
      tpu.yield
    }) : () -> ()
    %get3A = arith.constant 0 : index
    %get3A_3 = tpu.vector_load %arg7[%get3A] {strides = array<i32>} : memref<16xi32, #tpu.memory_space<vmem>>, vector<16xi32>,
    %get3A_4 = vector.shape_cast %get3A_3 : vector<16xi32> to vector<16xi32>
    %get3A_5 = arith.constant 0 : i32
    %get3A_6 = arith.index_cast %get3A_5 : i32 to index
    %get3A_7 = arith.constant 0 : index
    %get3A_8 = tpu.vector_load %arg6[%get3A_6, %get3A_7] {strides = array<i32>} : memref<3x128xf32, #tpu.memory_space<vmem>>, vector<1x16xf32>,
    %get3A_9 = vector.shape_cast %get3A_8 : vector<1x16xf32> to vector<16xf32>
    %get3A_10 = arith.constant 1 : i32
    %get3A_11 = arith.index_cast %get3A_10 : i32 to index
    %get3A_12 = arith.constant 0 : index
    %get3A_13 = tpu.vector_load %arg6[%get3A_11, %get3A_12] {strides = array<i32>} : memref<3x128xf32, #tpu.memory_space<vmem>>, vector<1x16xf32>,
    %get3A_14 = vector.shape_cast %get3A_13 : vector<1x16xf32> to vector<16xf32>
    %get3A_15 = arith.constant 2 : i32
    %get3A_16 = arith.index_cast %get3A_15 : i32 to index
    %get3A_17 = arith.constant 0 : index
    %get3A_18 = tpu.vector_load %arg6[%get3A_16, %get3A_17] {strides = array<i32>} : memref<3x128xf32, #tpu.memory_space<vmem>>, vector<1x16xf32>,
    %get3A_19 = vector.shape_cast %get3A_18 : vector<1x16xf32> to vector<16xf32>
    %eq3A = arith.constant 0 : i32
    %eq3A_20 = vector.broadcast %eq3A : i32 to vector<16xi32>
    %eq3A_21 = arith.cmpi eq, %get3A_4, %eq3A_20 : vector<16xi32>
    %eq3A_22 = arith.constant 1 : i32
    %eq3A_23 = vector.broadcast %eq3A_22 : i32 to vector<16xi32>
    %eq3A_24 = arith.cmpi eq, %get3A_4, %eq3A_23 : vector<16xi32>
    %select_n3A = arith.select %eq3A_24, %get3A_14, %get3A_19 : vector<16xi1>, vector<16xf32>
    %select_n3A_25 = arith.select %eq3A_21, %get3A_9, %select_n3A : vector<16xi1>, vector<16xf32>
    %get3A_26 = arith.constant 0 : i32
    %get3A_27 = arith.index_cast %get3A_26 : i32 to index
    %get3A_28 = arith.constant 16 : index
    %get3A_29 = tpu.vector_load %arg6[%get3A_27, %get3A_28] {strides = array<i32>} : memref<3x128xf32, #tpu.memory_space<vmem>>, vector<1x16xf32>,
    %get3A_30 = vector.shape_cast %get3A_29 : vector<1x16xf32> to vector<16xf32>
    %get3A_31 = arith.constant 1 : i32
    %get3A_32 = arith.index_cast %get3A_31 : i32 to index
    %get3A_33 = arith.constant 16 : index
    %get3A_34 = tpu.vector_load %arg6[%get3A_32, %get3A_33] {strides = array<i32>} : memref<3x128xf32, #tpu.memory_space<vmem>>, vector<1x16xf32>,
    %get3A_35 = vector.shape_cast %get3A_34 : vector<1x16xf32> to vector<16xf32>
    %get3A_36 = arith.constant 2 : i32
    %get3A_37 = arith.index_cast %get3A_36 : i32 to index
    %get3A_38 = arith.constant 16 : index
    %get3A_39 = tpu.vector_load %arg6[%get3A_37, %get3A_38] {strides = array<i32>} : memref<3x128xf32, #tpu.memory_space<vmem>>, vector<1x16xf32>,
    %get3A_40 = vector.shape_cast %get3A_39 : vector<1x16xf32> to vector<16xf32>
    %eq3A_41 = arith.constant 0 : i32
    %eq3A_42 = vector.broadcast %eq3A_41 : i32 to vector<16xi32>
    %eq3A_43 = arith.cmpi eq, %get3A_4, %eq3A_42 : vector<16xi32>
    %eq3A_44 = arith.constant 1 : i32
    %eq3A_45 = vector.broadcast %eq3A_44 : i32 to vector<16xi32>
    %eq3A_46 = arith.cmpi eq, %get3A_4, %eq3A_45 : vector<16xi32>
    %select_n3A_47 = arith.select %eq3A_46, %get3A_35, %get3A_40 : vector<16xi1>, vector<16xf32>
    %select_n3A_48 = arith.select %eq3A_43, %get3A_30, %select_n3A_47 : vector<16xi1>, vector<16xf32>
    %get3A_49 = arith.constant 0 : i32
    %get3A_50 = arith.index_cast %get3A_49 : i32 to index
    %get3A_51 = arith.constant 32 : index
    %get3A_52 = tpu.vector_load %arg6[%get3A_50, %get3A_51] {strides = array<i32>} : memref<3x128xf32, #tpu.memory_space<vmem>>, vector<1x16xf32>,
    %get3A_53 = vector.shape_cast %get3A_52 : vector<1x16xf32> to vector<16xf32>
    %get3A_54 = arith.constant 1 : i32
    %get3A_55 = arith.index_cast %get3A_54 : i32 to index
    %get3A_56 = arith.constant 32 : index
    %get3A_57 = tpu.vector_load %arg6[%get3A_55, %get3A_56] {strides = array<i32>} : memref<3x128xf32, #tpu.memory_space<vmem>>, vector<1x16xf32>,
    %get3A_58 = vector.shape_cast %get3A_57 : vector<1x16xf32> to vector<16xf32>
    %get3A_59 = arith.constant 2 : i32
    %get3A_60 = arith.index_cast %get3A_59 : i32 to index
    %get3A_61 = arith.constant 32 : index
    %get3A_62 = tpu.vector_load %arg6[%get3A_60, %get3A_61] {strides = array<i32>} : memref<3x128xf32, #tpu.memory_space<vmem>>, vector<1x16xf32>,
    %get3A_63 = vector.shape_cast %get3A_62 : vector<1x16xf32> to vector<16xf32>
    %eq3A_64 = arith.constant 0 : i32
    %eq3A_65 = vector.broadcast %eq3A_64 : i32 to vector<16xi32>
    %eq3A_66 = arith.cmpi eq, %get3A_4, %eq3A_65 : vector<16xi32>
    %eq3A_67 = arith.constant 1 : i32
    %eq3A_68 = vector.broadcast %eq3A_67 : i32 to vector<16xi32>
    %eq3A_69 = arith.cmpi eq, %get3A_4, %eq3A_68 : vector<16xi32>
    %select_n3A_70 = arith.select %eq3A_69, %get3A_58, %get3A_63 : vector<16xi1>, vector<16xf32>
    %select_n3A_71 = arith.select %eq3A_66, %get3A_53, %select_n3A_70 : vector<16xi1>, vector<16xf32>
    %get3A_72 = arith.constant 0 : i32
    %get3A_73 = arith.index_cast %get3A_72 : i32 to index
    %get3A_74 = arith.constant 48 : index
    %get3A_75 = tpu.vector_load %arg6[%get3A_73, %get3A_74] {strides = array<i32>} : memref<3x128xf32, #tpu.memory_space<vmem>>, vector<1x16xf32>,
    %get3A_76 = vector.shape_cast %get3A_75 : vector<1x16xf32> to vector<16xf32>
    %get3A_77 = arith.constant 1 : i32
    %get3A_78 = arith.index_cast %get3A_77 : i32 to index
    %get3A_79 = arith.constant 48 : index
    %get3A_80 = tpu.vector_load %arg6[%get3A_78, %get3A_79] {strides = array<i32>} : memref<3x128xf32, #tpu.memory_space<vmem>>, vector<1x16xf32>,
    %get3A_81 = vector.shape_cast %get3A_80 : vector<1x16xf32> to vector<16xf32>
    %get3A_82 = arith.constant 2 : i32
    %get3A_83 = arith.index_cast %get3A_82 : i32 to index
    %get3A_84 = arith.constant 48 : index
    %get3A_85 = tpu.vector_load %arg6[%get3A_83, %get3A_84] {strides = array<i32>} : memref<3x128xf32, #tpu.memory_space<vmem>>, vector<1x16xf32>,
    %get3A_86 = vector.shape_cast %get3A_85 : vector<1x16xf32> to vector<16xf32>
    %eq3A_87 = arith.constant 0 : i32
    %eq3A_88 = vector.broadcast %eq3A_87 : i32 to vector<16xi32>
    %eq3A_89 = arith.cmpi eq, %get3A_4, %eq3A_88 : vector<16xi32>
    %eq3A_90 = arith.constant 1 : i32
    %eq3A_91 = vector.broadcast %eq3A_90 : i32 to vector<16xi32>
    %eq3A_92 = arith.cmpi eq, %get3A_4, %eq3A_91 : vector<16xi32>
    %select_n3A_93 = arith.select %eq3A_92, %get3A_81, %get3A_86 : vector<16xi1>, vector<16xf32>
    %select_n3A_94 = arith.select %eq3A_89, %get3A_76, %select_n3A_93 : vector<16xi1>, vector<16xf32>
    %get3A_95 = arith.constant 0 : i32
    %get3A_96 = arith.index_cast %get3A_95 : i32 to index
    %get3A_97 = arith.constant 64 : index
    %get3A_98 = tpu.vector_load %arg6[%get3A_96, %get3A_97] {strides = array<i32>} : memref<3x128xf32, #tpu.memory_space<vmem>>, vector<1x16xf32>,
    %get3A_99 = vector.shape_cast %get3A_98 : vector<1x16xf32> to vector<16xf32>
    %get3A_100 = arith.constant 1 : i32
    %get3A_101 = arith.index_cast %get3A_100 : i32 to index
    %get3A_102 = arith.constant 64 : index
    %get3A_103 = tpu.vector_load %arg6[%get3A_101, %get3A_102] {strides = array<i32>} : memref<3x128xf32, #tpu.memory_space<vmem>>, vector<1x16xf32>,
    %get3A_104 = vector.shape_cast %get3A_103 : vector<1x16xf32> to vector<16xf32>
    %get3A_105 = arith.constant 2 : i32
    %get3A_106 = arith.index_cast %get3A_105 : i32 to index
    %get3A_107 = arith.constant 64 : index
    %get3A_108 = tpu.vector_load %arg6[%get3A_106, %get3A_107] {strides = array<i32>} : memref<3x128xf32, #tpu.memory_space<vmem>>, vector<1x16xf32>,
    %get3A_109 = vector.shape_cast %get3A_108 : vector<1x16xf32> to vector<16xf32>
    %eq3A_110 = arith.constant 0 : i32
    %eq3A_111 = vector.broadcast %eq3A_110 : i32 to vector<16xi32>
    %eq3A_112 = arith.cmpi eq, %get3A_4, %eq3A_111 : vector<16xi32>
    %eq3A_113 = arith.constant 1 : i32
    %eq3A_114 = vector.broadcast %eq3A_113 : i32 to vector<16xi32>
    %eq3A_115 = arith.cmpi eq, %get3A_4, %eq3A_114 : vector<16xi32>
    %select_n3A_116 = arith.select %eq3A_115, %get3A_104, %get3A_109 : vector<16xi1>, vector<16xf32>
    %select_n3A_117 = arith.select %eq3A_112, %get3A_99, %select_n3A_116 : vector<16xi1>, vector<16xf32>
    %get3A_118 = arith.constant 0 : i32
    %get3A_119 = arith.index_cast %get3A_118 : i32 to index
    %get3A_120 = arith.constant 80 : index
    %get3A_121 = tpu.vector_load %arg6[%get3A_119, %get3A_120] {strides = array<i32>} : memref<3x128xf32, #tpu.memory_space<vmem>>, vector<1x16xf32>,
    %get3A_122 = vector.shape_cast %get3A_121 : vector<1x16xf32> to vector<16xf32>
    %get3A_123 = arith.constant 1 : i32
    %get3A_124 = arith.index_cast %get3A_123 : i32 to index
    %get3A_125 = arith.constant 80 : index
    %get3A_126 = tpu.vector_load %arg6[%get3A_124, %get3A_125] {strides = array<i32>} : memref<3x128xf32, #tpu.memory_space<vmem>>, vector<1x16xf32>,
    %get3A_127 = vector.shape_cast %get3A_126 : vector<1x16xf32> to vector<16xf32>
    %get3A_128 = arith.constant 2 : i32
    %get3A_129 = arith.index_cast %get3A_128 : i32 to index
    %get3A_130 = arith.constant 80 : index
    %get3A_131 = tpu.vector_load %arg6[%get3A_129, %get3A_130] {strides = array<i32>} : memref<3x128xf32, #tpu.memory_space<vmem>>, vector<1x16xf32>,
    %get3A_132 = vector.shape_cast %get3A_131 : vector<1x16xf32> to vector<16xf32>
    %eq3A_133 = arith.constant 0 : i32
    %eq3A_134 = vector.broadcast %eq3A_133 : i32 to vector<16xi32>
    %eq3A_135 = arith.cmpi eq, %get3A_4, %eq3A_134 : vector<16xi32>
    %eq3A_136 = arith.constant 1 : i32
    %eq3A_137 = vector.broadcast %eq3A_136 : i32 to vector<16xi32>
    %eq3A_138 = arith.cmpi eq, %get3A_4, %eq3A_137 : vector<16xi32>
    %select_n3A_139 = arith.select %eq3A_138, %get3A_127, %get3A_132 : vector<16xi1>, vector<16xf32>
    %select_n3A_140 = arith.select %eq3A_135, %get3A_122, %select_n3A_139 : vector<16xi1>, vector<16xf32>
    %get3A_141 = arith.constant 0 : i32
    %get3A_142 = arith.index_cast %get3A_141 : i32 to index
    %get3A_143 = arith.constant 96 : index
    %get3A_144 = tpu.vector_load %arg6[%get3A_142, %get3A_143] {strides = array<i32>} : memref<3x128xf32, #tpu.memory_space<vmem>>, vector<1x16xf32>,
    %get3A_145 = vector.shape_cast %get3A_144 : vector<1x16xf32> to vector<16xf32>
    %get3A_146 = arith.constant 1 : i32
    %get3A_147 = arith.index_cast %get3A_146 : i32 to index
    %get3A_148 = arith.constant 96 : index
    %get3A_149 = tpu.vector_load %arg6[%get3A_147, %get3A_148] {strides = array<i32>} : memref<3x128xf32, #tpu.memory_space<vmem>>, vector<1x16xf32>,
    %get3A_150 = vector.shape_cast %get3A_149 : vector<1x16xf32> to vector<16xf32>
    %get3A_151 = arith.constant 2 : i32
    %get3A_152 = arith.index_cast %get3A_151 : i32 to index
    %get3A_153 = arith.constant 96 : index
    %get3A_154 = tpu.vector_load %arg6[%get3A_152, %get3A_153] {strides = array<i32>} : memref<3x128xf32, #tpu.memory_space<vmem>>, vector<1x16xf32>,
    %get3A_155 = vector.shape_cast %get3A_154 : vector<1x16xf32> to vector<16xf32>
    %eq3A_156 = arith.constant 0 : i32
    %eq3A_157 = vector.broadcast %eq3A_156 : i32 to vector<16xi32>
    %eq3A_158 = arith.cmpi eq, %get3A_4, %eq3A_157 : vector<16xi32>
    %eq3A_159 = arith.constant 1 : i32
    %eq3A_160 = vector.broadcast %eq3A_159 : i32 to vector<16xi32>
    %eq3A_161 = arith.cmpi eq, %get3A_4, %eq3A_160 : vector<16xi32>
    %select_n3A_162 = arith.select %eq3A_161, %get3A_150, %get3A_155 : vector<16xi1>, vector<16xf32>
    %select_n3A_163 = arith.select %eq3A_158, %get3A_145, %select_n3A_162 : vector<16xi1>, vector<16xf32>
    %get3A_164 = arith.constant 0 : i32
    %get3A_165 = arith.index_cast %get3A_164 : i32 to index
    %get3A_166 = arith.constant 112 : index
    %get3A_167 = tpu.vector_load %arg6[%get3A_165, %get3A_166] {strides = array<i32>} : memref<3x128xf32, #tpu.memory_space<vmem>>, vector<1x16xf32>,
    %get3A_168 = vector.shape_cast %get3A_167 : vector<1x16xf32> to vector<16xf32>
    %get3A_169 = arith.constant 1 : i32
    %get3A_170 = arith.index_cast %get3A_169 : i32 to index
    %get3A_171 = arith.constant 112 : index
    %get3A_172 = tpu.vector_load %arg6[%get3A_170, %get3A_171] {strides = array<i32>} : memref<3x128xf32, #tpu.memory_space<vmem>>, vector<1x16xf32>,
    %get3A_173 = vector.shape_cast %get3A_172 : vector<1x16xf32> to vector<16xf32>
    %get3A_174 = arith.constant 2 : i32
    %get3A_175 = arith.index_cast %get3A_174 : i32 to index
    %get3A_176 = arith.constant 112 : index
    %get3A_177 = tpu.vector_load %arg6[%get3A_175, %get3A_176] {strides = array<i32>} : memref<3x128xf32, #tpu.memory_space<vmem>>, vector<1x16xf32>,
    %get3A_178 = vector.shape_cast %get3A_177 : vector<1x16xf32> to vector<16xf32>
    %eq3A_179 = arith.constant 0 : i32
    %eq3A_180 = vector.broadcast %eq3A_179 : i32 to vector<16xi32>
    %eq3A_181 = arith.cmpi eq, %get3A_4, %eq3A_180 : vector<16xi32>
    %eq3A_182 = arith.constant 1 : i32
    %eq3A_183 = vector.broadcast %eq3A_182 : i32 to vector<16xi32>
    %eq3A_184 = arith.cmpi eq, %get3A_4, %eq3A_183 : vector<16xi32>
    %select_n3A_185 = arith.select %eq3A_184, %get3A_173, %get3A_178 : vector<16xi1>, vector<16xf32>
    %select_n3A_186 = arith.select %eq3A_181, %get3A_168, %select_n3A_185 : vector<16xi1>, vector<16xf32>
    "tpu.region"() ({
      %run_scoped3A = tpu.sem_alloc : memref<!tpu.dma_semaphore, #tpu.memory_space<semaphore_mem>>
      %dma_start3A = arith.constant 0 : i32
      %dma_start3A_189 = tpu.memref_slice %arg2[%mul3A_2, %dma_start3A] : memref<16384x128xf32, #tpu.memory_space<hbm>> -> memref<512x128xf32, #tpu.memory_space<hbm>>
      %dma_start3A_190 = arith.constant 0 : i32
      %dma_start3A_191 = tpu.memref_slice %arg2[%mul3A_2, %dma_start3A_190] : memref<16384x128xf32, #tpu.memory_space<hbm>> -> memref<512x128xf32, #tpu.memory_space<hbm>>
      tpu.enqueue_dma source(%dma_start3A_191 : memref<512x128xf32, #tpu.memory_space<hbm>>) target(%arg8 : memref<512x128xf32, #tpu.memory_space<vmem>>) target_semaphore(%run_scoped3A : memref<!tpu.dma_semaphore, #tpu.memory_space<semaphore_mem>>)
      %dma_wait3A = arith.constant 0 : i32
      %dma_wait3A_192 = tpu.memref_slice %arg2[%mul3A_2, %dma_wait3A] : memref<16384x128xf32, #tpu.memory_space<hbm>> -> memref<512x128xf32, #tpu.memory_space<hbm>>
      %dma_wait3A_193 = arith.constant 0 : i32
      %dma_wait3A_194 = tpu.memref_slice %arg2[%mul3A_2, %dma_wait3A_193] : memref<16384x128xf32, #tpu.memory_space<hbm>> -> memref<512x128xf32, #tpu.memory_space<hbm>>
      tpu.wait_dma2 semaphore(%run_scoped3A : memref<!tpu.dma_semaphore, #tpu.memory_space<semaphore_mem>>) src(%dma_wait3A_194 : memref<512x128xf32, #tpu.memory_space<hbm>>) dst(%arg8 : memref<512x128xf32, #tpu.memory_space<vmem>>)
      tpu.yield
    }) : () -> ()
    %parallel_loop3A = arith.constant 0 : i32
    %parallel_loop3A_187 = arith.constant 512 : i32
    %parallel_loop3A_188 = arith.constant 1 : i32
    scf.for %parallel_loop3A_189 = %parallel_loop3A to %parallel_loop3A_187 step %parallel_loop3A_188  : i32 {
      %parallel_loop3A_190 = arith.index_cast %parallel_loop3A_189 : i32 to index
      %parallel_loop3A_191 = arith.constant 0 : index
      %parallel_loop3A_192 = tpu.vector_load %arg8[%parallel_loop3A_190, %parallel_loop3A_191] {strides = array<i32>} : memref<512x128xf32, #tpu.memory_space<vmem>>, vector<1x16xf32>,
      %parallel_loop3A_193 = vector.shape_cast %parallel_loop3A_192 : vector<1x16xf32> to vector<16xf32>
      %parallel_loop3A_194 = arith.addf %parallel_loop3A_193, %select_n3A_25 : vector<16xf32>
      %parallel_loop3A_195 = arith.index_cast %parallel_loop3A_189 : i32 to index
      %parallel_loop3A_196 = arith.constant 0 : index
      %parallel_loop3A_197 = tpu.vector_load %arg8[%parallel_loop3A_195, %parallel_loop3A_196] {strides = array<i32>} : memref<512x128xf32, #tpu.memory_space<vmem>>, vector<1x16xf32>,
      %parallel_loop3A_198 = vector.shape_cast %parallel_loop3A_197 : vector<1x16xf32> to vector<16xf32>
      %parallel_loop3A_199 = vector.shape_cast %parallel_loop3A_194 : vector<16xf32> to vector<1x16xf32>
      tpu.vector_store %arg8[%parallel_loop3A_195, %parallel_loop3A_196], %parallel_loop3A_199 {strides = array<i32>} : memref<512x128xf32, #tpu.memory_space<vmem>>, vector<1x16xf32>,
      %parallel_loop3A_200 = arith.index_cast %parallel_loop3A_189 : i32 to index
      %parallel_loop3A_201 = arith.constant 16 : index
      %parallel_loop3A_202 = tpu.vector_load %arg8[%parallel_loop3A_200, %parallel_loop3A_201] {strides = array<i32>} : memref<512x128xf32, #tpu.memory_space<vmem>>, vector<1x16xf32>,
      %parallel_loop3A_203 = vector.shape_cast %parallel_loop3A_202 : vector<1x16xf32> to vector<16xf32>
      %parallel_loop3A_204 = arith.addf %parallel_loop3A_203, %select_n3A_48 : vector<16xf32>
      %parallel_loop3A_205 = arith.index_cast %parallel_loop3A_189 : i32 to index
      %parallel_loop3A_206 = arith.constant 16 : index
      %parallel_loop3A_207 = tpu.vector_load %arg8[%parallel_loop3A_205, %parallel_loop3A_206] {strides = array<i32>} : memref<512x128xf32, #tpu.memory_space<vmem>>, vector<1x16xf32>,
      %parallel_loop3A_208 = vector.shape_cast %parallel_loop3A_207 : vector<1x16xf32> to vector<16xf32>
      %parallel_loop3A_209 = vector.shape_cast %parallel_loop3A_204 : vector<16xf32> to vector<1x16xf32>
      tpu.vector_store %arg8[%parallel_loop3A_205, %parallel_loop3A_206], %parallel_loop3A_209 {strides = array<i32>} : memref<512x128xf32, #tpu.memory_space<vmem>>, vector<1x16xf32>,
      %parallel_loop3A_210 = arith.index_cast %parallel_loop3A_189 : i32 to index
      %parallel_loop3A_211 = arith.constant 32 : index
      %parallel_loop3A_212 = tpu.vector_load %arg8[%parallel_loop3A_210, %parallel_loop3A_211] {strides = array<i32>} : memref<512x128xf32, #tpu.memory_space<vmem>>, vector<1x16xf32>,
      %parallel_loop3A_213 = vector.shape_cast %parallel_loop3A_212 : vector<1x16xf32> to vector<16xf32>
      %parallel_loop3A_214 = arith.addf %parallel_loop3A_213, %select_n3A_71 : vector<16xf32>
      %parallel_loop3A_215 = arith.index_cast %parallel_loop3A_189 : i32 to index
      %parallel_loop3A_216 = arith.constant 32 : index
      %parallel_loop3A_217 = tpu.vector_load %arg8[%parallel_loop3A_215, %parallel_loop3A_216] {strides = array<i32>} : memref<512x128xf32, #tpu.memory_space<vmem>>, vector<1x16xf32>,
      %parallel_loop3A_218 = vector.shape_cast %parallel_loop3A_217 : vector<1x16xf32> to vector<16xf32>
      %parallel_loop3A_219 = vector.shape_cast %parallel_loop3A_214 : vector<16xf32> to vector<1x16xf32>
      tpu.vector_store %arg8[%parallel_loop3A_215, %parallel_loop3A_216], %parallel_loop3A_219 {strides = array<i32>} : memref<512x128xf32, #tpu.memory_space<vmem>>, vector<1x16xf32>,
      %parallel_loop3A_220 = arith.index_cast %parallel_loop3A_189 : i32 to index
      %parallel_loop3A_221 = arith.constant 48 : index
      %parallel_loop3A_222 = tpu.vector_load %arg8[%parallel_loop3A_220, %parallel_loop3A_221] {strides = array<i32>} : memref<512x128xf32, #tpu.memory_space<vmem>>, vector<1x16xf32>,
      %parallel_loop3A_223 = vector.shape_cast %parallel_loop3A_222 : vector<1x16xf32> to vector<16xf32>
      %parallel_loop3A_224 = arith.addf %parallel_loop3A_223, %select_n3A_94 : vector<16xf32>
      %parallel_loop3A_225 = arith.index_cast %parallel_loop3A_189 : i32 to index
      %parallel_loop3A_226 = arith.constant 48 : index
      %parallel_loop3A_227 = tpu.vector_load %arg8[%parallel_loop3A_225, %parallel_loop3A_226] {strides = array<i32>} : memref<512x128xf32, #tpu.memory_space<vmem>>, vector<1x16xf32>,
      %parallel_loop3A_228 = vector.shape_cast %parallel_loop3A_227 : vector<1x16xf32> to vector<16xf32>
      %parallel_loop3A_229 = vector.shape_cast %parallel_loop3A_224 : vector<16xf32> to vector<1x16xf32>
      tpu.vector_store %arg8[%parallel_loop3A_225, %parallel_loop3A_226], %parallel_loop3A_229 {strides = array<i32>} : memref<512x128xf32, #tpu.memory_space<vmem>>, vector<1x16xf32>,
      %parallel_loop3A_230 = arith.index_cast %parallel_loop3A_189 : i32 to index
      %parallel_loop3A_231 = arith.constant 64 : index
      %parallel_loop3A_232 = tpu.vector_load %arg8[%parallel_loop3A_230, %parallel_loop3A_231] {strides = array<i32>} : memref<512x128xf32, #tpu.memory_space<vmem>>, vector<1x16xf32>,
      %parallel_loop3A_233 = vector.shape_cast %parallel_loop3A_232 : vector<1x16xf32> to vector<16xf32>
      %parallel_loop3A_234 = arith.addf %parallel_loop3A_233, %select_n3A_117 : vector<16xf32>
      %parallel_loop3A_235 = arith.index_cast %parallel_loop3A_189 : i32 to index
      %parallel_loop3A_236 = arith.constant 64 : index
      %parallel_loop3A_237 = tpu.vector_load %arg8[%parallel_loop3A_235, %parallel_loop3A_236] {strides = array<i32>} : memref<512x128xf32, #tpu.memory_space<vmem>>, vector<1x16xf32>,
      %parallel_loop3A_238 = vector.shape_cast %parallel_loop3A_237 : vector<1x16xf32> to vector<16xf32>
      %parallel_loop3A_239 = vector.shape_cast %parallel_loop3A_234 : vector<16xf32> to vector<1x16xf32>
      tpu.vector_store %arg8[%parallel_loop3A_235, %parallel_loop3A_236], %parallel_loop3A_239 {strides = array<i32>} : memref<512x128xf32, #tpu.memory_space<vmem>>, vector<1x16xf32>,
      %parallel_loop3A_240 = arith.index_cast %parallel_loop3A_189 : i32 to index
      %parallel_loop3A_241 = arith.constant 80 : index
      %parallel_loop3A_242 = tpu.vector_load %arg8[%parallel_loop3A_240, %parallel_loop3A_241] {strides = array<i32>} : memref<512x128xf32, #tpu.memory_space<vmem>>, vector<1x16xf32>,
      %parallel_loop3A_243 = vector.shape_cast %parallel_loop3A_242 : vector<1x16xf32> to vector<16xf32>
      %parallel_loop3A_244 = arith.addf %parallel_loop3A_243, %select_n3A_140 : vector<16xf32>
      %parallel_loop3A_245 = arith.index_cast %parallel_loop3A_189 : i32 to index
      %parallel_loop3A_246 = arith.constant 80 : index
      %parallel_loop3A_247 = tpu.vector_load %arg8[%parallel_loop3A_245, %parallel_loop3A_246] {strides = array<i32>} : memref<512x128xf32, #tpu.memory_space<vmem>>, vector<1x16xf32>,
      %parallel_loop3A_248 = vector.shape_cast %parallel_loop3A_247 : vector<1x16xf32> to vector<16xf32>
      %parallel_loop3A_249 = vector.shape_cast %parallel_loop3A_244 : vector<16xf32> to vector<1x16xf32>
      tpu.vector_store %arg8[%parallel_loop3A_245, %parallel_loop3A_246], %parallel_loop3A_249 {strides = array<i32>} : memref<512x128xf32, #tpu.memory_space<vmem>>, vector<1x16xf32>,
      %parallel_loop3A_250 = arith.index_cast %parallel_loop3A_189 : i32 to index
      %parallel_loop3A_251 = arith.constant 96 : index
      %parallel_loop3A_252 = tpu.vector_load %arg8[%parallel_loop3A_250, %parallel_loop3A_251] {strides = array<i32>} : memref<512x128xf32, #tpu.memory_space<vmem>>, vector<1x16xf32>,
      %parallel_loop3A_253 = vector.shape_cast %parallel_loop3A_252 : vector<1x16xf32> to vector<16xf32>
      %parallel_loop3A_254 = arith.addf %parallel_loop3A_253, %select_n3A_163 : vector<16xf32>
      %parallel_loop3A_255 = arith.index_cast %parallel_loop3A_189 : i32 to index
      %parallel_loop3A_256 = arith.constant 96 : index
      %parallel_loop3A_257 = tpu.vector_load %arg8[%parallel_loop3A_255, %parallel_loop3A_256] {strides = array<i32>} : memref<512x128xf32, #tpu.memory_space<vmem>>, vector<1x16xf32>,
      %parallel_loop3A_258 = vector.shape_cast %parallel_loop3A_257 : vector<1x16xf32> to vector<16xf32>
      %parallel_loop3A_259 = vector.shape_cast %parallel_loop3A_254 : vector<16xf32> to vector<1x16xf32>
      tpu.vector_store %arg8[%parallel_loop3A_255, %parallel_loop3A_256], %parallel_loop3A_259 {strides = array<i32>} : memref<512x128xf32, #tpu.memory_space<vmem>>, vector<1x16xf32>,
      %parallel_loop3A_260 = arith.index_cast %parallel_loop3A_189 : i32 to index
      %parallel_loop3A_261 = arith.constant 112 : index
      %parallel_loop3A_262 = tpu.vector_load %arg8[%parallel_loop3A_260, %parallel_loop3A_261] {strides = array<i32>} : memref<512x128xf32, #tpu.memory_space<vmem>>, vector<1x16xf32>,
      %parallel_loop3A_263 = vector.shape_cast %parallel_loop3A_262 : vector<1x16xf32> to vector<16xf32>
      %parallel_loop3A_264 = arith.addf %parallel_loop3A_263, %select_n3A_186 : vector<16xf32>
      %parallel_loop3A_265 = arith.index_cast %parallel_loop3A_189 : i32 to index
      %parallel_loop3A_266 = arith.constant 112 : index
      %parallel_loop3A_267 = tpu.vector_load %arg8[%parallel_loop3A_265, %parallel_loop3A_266] {strides = array<i32>} : memref<512x128xf32, #tpu.memory_space<vmem>>, vector<1x16xf32>,
      %parallel_loop3A_268 = vector.shape_cast %parallel_loop3A_267 : vector<1x16xf32> to vector<16xf32>
      %parallel_loop3A_269 = vector.shape_cast %parallel_loop3A_264 : vector<16xf32> to vector<1x16xf32>
      tpu.vector_store %arg8[%parallel_loop3A_265, %parallel_loop3A_266], %parallel_loop3A_269 {strides = array<i32>} : memref<512x128xf32, #tpu.memory_space<vmem>>, vector<1x16xf32>,
    } {sc.loop_unroll_factor = 1 : i64, sc.parallel_access}
    "tpu.region"() ({
      %run_scoped3A = tpu.sem_alloc : memref<!tpu.dma_semaphore, #tpu.memory_space<semaphore_mem>>
      %dma_start3A = arith.constant 0 : i32
      %dma_start3A_189 = tpu.memref_slice %arg5[%mul3A_2, %dma_start3A] : memref<16384x128xf32, #tpu.memory_space<hbm>> -> memref<512x128xf32, #tpu.memory_space<hbm>>
      %dma_start3A_190 = arith.constant 0 : i32
      %dma_start3A_191 = tpu.memref_slice %arg5[%mul3A_2, %dma_start3A_190] : memref<16384x128xf32, #tpu.memory_space<hbm>> -> memref<512x128xf32, #tpu.memory_space<hbm>>
      tpu.enqueue_dma source(%arg8 : memref<512x128xf32, #tpu.memory_space<vmem>>) target(%dma_start3A_191 : memref<512x128xf32, #tpu.memory_space<hbm>>) target_semaphore(%run_scoped3A : memref<!tpu.dma_semaphore, #tpu.memory_space<semaphore_mem>>)
      %dma_wait3A = arith.constant 0 : i32
      %dma_wait3A_192 = tpu.memref_slice %arg5[%mul3A_2, %dma_wait3A] : memref<16384x128xf32, #tpu.memory_space<hbm>> -> memref<512x128xf32, #tpu.memory_space<hbm>>
      %dma_wait3A_193 = arith.constant 0 : i32
      %dma_wait3A_194 = tpu.memref_slice %arg5[%mul3A_2, %dma_wait3A_193] : memref<16384x128xf32, #tpu.memory_space<hbm>> -> memref<512x128xf32, #tpu.memory_space<hbm>>
      tpu.wait_dma2 semaphore(%run_scoped3A : memref<!tpu.dma_semaphore, #tpu.memory_space<semaphore_mem>>) src(%arg8 : memref<512x128xf32, #tpu.memory_space<vmem>>) dst(%dma_wait3A_194 : memref<512x128xf32, #tpu.memory_space<hbm>>)
      tpu.yield
    }) : () -> ()
    return
  }
}

</mosaic_0001>

<sc_bundles>
// kernel: kernel.3.cloned.1.call-start
scs
__scs_entry_jumppad:
0x0: {  	(pc) =	sbr.rel $0x88, $3  }
0x1: {  	(tag) =	ssettag $0x0;
	lr =	simm.s32 $0x1  }
0x2: {  	[smem:$0x3F9E] =	sst lr;
	_ =	strace $0xD0000000  }
0x3: {  	_ = 	snop  }
0x4: {  	_ = 	snop  }
0x5: {  	_ = 	snop  }
0x6: {  	_ = 	snop  }
0x7: {  	_ = 	snop  }
__scs_overlays_trampoline_lowered:
0x8: {  	[smem:$0x3FAD] =	sst s0  }
0x9: {  	[smem:$0x3FAE] =	sst s1  }
0xa: {  	[smem:$0x3FAF] =	sst s2  }
0xb: {  	[smem:$0x3FB0] =	sst s3  }
0xc: {  	[smem:$0x3FB1] =	sst s4  }
0xd: {  	[smem:$0x3FB2] =	sst s5  }
0xe: {  	[smem:$0x3FB3] =	sst s6  }
0xf: {  	[smem:$0x3FB4] =	sst s7  }
0x10: {  	[smem:$0x3FB5] =	sst s8  }
0x11: {  	[smem:$0x3FB6] =	sst s9;
	s0 =	simm.s32 @!p0 $0x0  }
0x12: {  	s1 =	sld [smem:$0x3F9C];
	s0 =	simm.s32 @p0 $0x1  }
0x13: {  	[smem:$0x3FB7] =	sst s0;
	s0 =	simm.s32 @!p1 $0x0  }
0x14: {  	s2 =	sld [smem:$0x3F9B];
	s0 =	simm.s32 @p1 $0x1  }
0x15: {  	[smem:$0x3FB8] =	sst s0;
	s0 =	simm.s32 @!p2 $0x0  }
0x16: {  	s3 =	sld [smem:$0x3FDB];
	s0 =	simm.s32 @p2 $0x1  }
0x17: {  	s4 =	simm.s32 $0x1BF5;
	[smem:$0x3FBA] =	sst s0  }
0x18: {  	s0 =	sld [smem:$0x3F9D];
	_ =	swait.ge [sflag:s4], $0x0  }
0x19: {  	s7 =	sld [smem:$0x3F9E]  }
0x1a: {  	s8 =	sadd.s32 $0xFFFFE003, lr  }
0x1b: {  	s9 =	sadd.s32 $0xFFFFFEF7, lr;
	s5 =	simm.s32 $0xFFFFFFFF;
	p2 =	slt.u32 s8, $0xFFFFF086  }
0x1c: {  	p1 =	slt.u32 s9, $0xF7A;
	s5 =	simm.s32 @!p2 $0x0  }
0x1d: {  	s5 =	simm.s32 @p1 $0x1;
	p0 =	seq.s32 s7, s2  }
0x1e: {  	s7 =	smul.u32 @!p0 $0xF7A, s2;
	p2 =	seq.s32 @!p0 s5, $0x0  }
0x1f: {  	s9 =	smul.u32 $0xF7A, s1;
	s8 =	simm.s32 @!p0 $0x1BF5;
	p2 =	por !p2, p0  }
0x20: {  	[sflag:s8] =	ssyncset.s32 @!p0 $0xFFFFF086;
	s6 =	sadd.s32 @!p0 s3, s7;
	s7 =	simm.s32 @!p0 $0x108  }
0x21: {  	s3 =	sadd.s32 s3, s9;
	s6 =	sadd.s32 @!p0 $0x88, s6;
	s7 =	simm.s32 @p2 $0x1082  }
0x22: {  	[simem:s7], [sflag:s8] =	dma.local @!p0 [hbm:s6], $0xF7A  }
0x23: {  	s9 =	sor.u32 $0xD0000000, s2;
	s6 =	simm.s32 $0x108;
	_ =	swait.ge @!p0 [sflag:s8], $0x0  }
0x24: {  	s3 =	sadd.s32 $0x88, s3;
	s6 =	simm.s32 @!p1 $0x1082;
	[sflag:s4] =	ssyncset.s32 $0xFFFFF086  }
0x25: {  	[simem:s6], [sflag:s4] =	dma.local [hbm:s3], $0xF7A  }
0x26: {  	[smem:$0x3F9E] =	sst s1;
	(tag) =	ssettag s2;
	_ =	strace s9  }
0x27: {  	s1 =	sld [smem:$0x3FAE]  }
0x28: {  	s2 =	sld [smem:$0x3FAF]  }
0x29: {  	s4 =	sld [smem:$0x3FB1]  }
0x2a: {  	p0 =	seq.s32 s5, $0x0;
	s5 =	sld [smem:$0x3FB2]  }
0x2b: {  	s6 =	sld [smem:$0x3FB3]  }
0x2c: {  	s7 =	sld [smem:$0x3FB4]  }
0x2d: {  	s3 =	simm.s32 $0x108;
	s8 =	sld [smem:$0x3FB5]  }
0x2e: {  	s3 =	simm.s32 @!p0 $0x1082;
	s9 =	sld [smem:$0x3FB6]  }
0x2f: {  	lr =	sadd.s32 s0, s3;
	s0 =	sld [smem:$0x3FAD]  }
0x30: {  	s3 =	sld [smem:$0x3FB0]  }
0x31: {  	[smem:$0x3FB9] =	sst s10  }
0x32: {  	s10 =	sld [smem:$0x3FB7];
	_ =	sdelay $0x3  }
0x33: {  	p0 =	seq.s32 s10, $0x1;
	s10 =	sld [smem:$0x3FB9];
	_ =	sdelay $0x3  }
0x34: {  	[smem:$0x3FB9] =	sst s10  }
0x35: {  	s10 =	sld [smem:$0x3FB8];
	_ =	sdelay $0x3  }
0x36: {  	p1 =	seq.s32 s10, $0x1;
	s10 =	sld [smem:$0x3FB9];
	_ =	sdelay $0x3  }
0x37: {  	[smem:$0x3FB9] =	sst s10  }
0x38: {  	s10 =	sld [smem:$0x3FBA]  }
0x39: {  	_ = 	snop;
	(pc) =	sbr.ind lr, $3  }
0x3a: {  	_ = 	snop  }
0x3b: {  	_ = 	snop  }
0x3c: {  	p2 =	seq.s32 s10, $0x1;
	s10 =	sld [smem:$0x3FB9]  }
0x3d: {  	_ =	shalt  }
0x3e: {  	_ =	shalt  }
0x3f: {  	_ =	shalt  }
0x40: {  	_ =	shalt  }
0x41: {  	_ =	shalt  }
0x42: {  	_ =	shalt  }
0x43: {  	_ =	shalt  }
0x44: {  	_ =	shalt  }
0x45: {  	_ =	shalt  }
0x46: {  	_ =	shalt  }
0x47: {  	_ =	shalt  }
0x48: {  	_ =	shalt  }
0x49: {  	_ =	shalt  }
0x4a: {  	_ =	shalt  }
0x4b: {  	_ =	shalt  }
0x4c: {  	_ =	shalt  }
0x4d: {  	_ =	shalt  }
0x4e: {  	_ =	shalt  }
0x4f: {  	_ =	shalt  }
0x50: {  	_ =	shalt  }
0x51: {  	_ =	shalt  }
0x52: {  	_ =	shalt  }
0x53: {  	_ =	shalt  }
0x54: {  	_ =	shalt  }
0x55: {  	_ =	shalt  }
0x56: {  	_ =	shalt  }
0x57: {  	_ =	shalt  }
0x58: {  	_ =	shalt  }
0x59: {  	_ =	shalt  }
0x5a: {  	_ =	shalt  }
0x5b: {  	_ =	shalt  }
0x5c: {  	_ =	shalt  }
0x5d: {  	_ =	shalt  }
0x5e: {  	_ =	shalt  }
0x5f: {  	_ =	shalt  }
0x60: {  	_ =	shalt  }
0x61: {  	_ =	shalt  }
0x62: {  	_ =	shalt  }
0x63: {  	_ =	shalt  }
0x64: {  	_ =	shalt  }
0x65: {  	_ =	shalt  }
0x66: {  	_ =	shalt  }
0x67: {  	_ =	shalt  }
0x68: {  	_ =	shalt  }
0x69: {  	_ =	shalt  }
0x6a: {  	_ =	shalt  }
0x6b: {  	_ =	shalt  }
0x6c: {  	_ =	shalt  }
0x6d: {  	_ =	shalt  }
0x6e: {  	_ =	shalt  }
0x6f: {  	_ =	shalt  }
0x70: {  	_ =	shalt  }
0x71: {  	_ =	shalt  }
0x72: {  	_ =	shalt  }
0x73: {  	_ =	shalt  }
0x74: {  	_ =	shalt  }
0x75: {  	_ =	shalt  }
0x76: {  	_ =	shalt  }
0x77: {  	_ =	shalt  }
0x78: {  	_ =	shalt  }
0x79: {  	_ =	shalt  }
0x7a: {  	_ =	shalt  }
0x7b: {  	_ =	shalt  }
0x7c: {  	_ =	shalt  }
0x7d: {  	_ =	shalt  }
0x7e: {  	_ =	shalt  }
0x7f: {  	_ =	shalt  }
0x80: {  	_ =	shalt  }
0x81: {  	_ =	shalt  }
0x82: {  	_ =	shalt  }
0x83: {  	_ =	shalt  }
0x84: {  	_ =	shalt  }
0x85: {  	_ =	shalt  }
0x86: {  	_ =	shalt  }
0x87: {  	_ =	shalt  }
.Lfunc_end0:
.L_simem_size_0:
called_computation_lowered:
.L_overlay_start_0:
0x88: {  	s2 =	sld [smem:$0x3FD9]  }
0x89: {  	s3 =	sld [smem:$0x3FFE];
	_ =	sdelay $0x1  }
0x8a: {  	s1 =	srdreg.scid  }
0x8b: {  	s0 =	sand.u32 $0x1, s1  }
0x8c: {  	s17 =	sshll.u32 s0, $0xA;
	s2 =	sadd.s32 s3, s2  }
0x8d: {  	s2 =	sadd.s32 s2, s17  }
0x8e: {  	[smem:$0x3FC5] =	sst s2  }
0x8f: {  	_ = 	snop  }
0x90: {  	s2 =	sld [smem:$0x3FC9]  }
0x91: {  	s18 =	sld [smem:$0x3FC8]  }
0x92: {  	s4 =	sld [smem:$0x3FD0];
	(tm) =	ssettm $0x1  }
0x93: {  	s5 =	sld [smem:$0x3FFB];
	_ =	sdelay $0x3  }
0x94: {  	_ =	strace s5  }
0x95: {  	s5 =	sld [smem:$0x3FFC];
	_ =	sdelay $0x3  }
0x96: {  	_ =	strace s5  }
0x97: {  	s5 =	sld [smem:$0x3FFD];
	_ =	sdelay $0x3  }
0x98: {  	_ =	strace s5  }
0x99: {  	_ =	strace $0x8FFFFFFF  }
0x9a: {  	s19 =	sld [smem:$0x3FDB];
	_ =	sdelay $0x1  }
0x9b: {  	s6 =	simm.s32 $_scs_section_size  }
0x9c: {  	s7 =	simm.s32 $_size__tile_overlayer_lowered;
	s8 =	simm.s32 $_tile_overlayer_lowered  }
0x9d: {  	s22 =	simm.s32 $0x1BFF;
	s21 =	sshll.u32 s8, $0x1;
	s5 =	sadd.s32 s6, s19  }
0x9e: {  	s9 =	simm.s32 $0x0;
	s20 =	sshll.u32 s7, $0x1;
	s7 =	sadd.s32 s21, s5  }
0x9f: {  	[timem:s9], [sflag:s22] =	dma.local [hbm:s7], s20  }
0xa0: {  	_ =	swait.ge [sflag:s22], s20  }
0xa1: {  	s6 =	ssub.s32 $0x0, s20;
	[sflag:s22] =	ssyncset.done $0x0  }
0xa2: {  	[sflag:s22] =	ssyncadd.s32 s6;
	_ =	sdelay $0x1  }
0xa3: {  	s23 =	simm.s32 $0x1B8B  }
0xa4: {  	_ =	swait.ge [sflag:s23], $0x1  }
0xa5: {  	[sflag:s23] =	ssyncset.done $0x0  }
0xa6: {  	s25 =	simm.s32 $0x1B8E;
	s24 =	sld [smem:$0x3FFE];
	[sflag:s23] =	ssyncadd.s32 $0xFFFFFFFF  }
0xa7: {  	s26 =	simm.s32 $execute0_lowered;
	[smem:$0x3FD2] =	sst s25  }
0xa8: {  	s7 =	sshll.u32 s26, $0x1;
	_ =	strace $0x80000046;
	[dreg:$0x1] =	wrdreg $0xFFFFFFFF  }
0xa9: {  	s28 =	simm.s32 $_size_execute0_lowered;
	s5 =	sadd.s32 s5, s7;
	[dreg:$0x0] =	wrdreg $0x0  }
0xaa: {  	s7 =	sshll.u32 s28, $0x1;
	[dreg:$0x2] =	wrdreg s5  }
0xab: {  	[dreg:$0x3] =	wrdreg s7  }
0xac: {  	[dreg:$0x4] =	wrdreg $0xC0  }
0xad: {  	_ =	task [dreg:s9], $0x5FFFF  }
0xae: {  	[dreg:$0x1] =	wrdreg $0xFFFFFFFF  }
0xaf: {  	[dreg:$0x0] =	wrdreg $0x60  }
0xb0: {  	[dreg:$0x2] =	wrdreg s2  }
0xb1: {  	[dreg:$0x3] =	wrdreg s18  }
0xb2: {  	[dreg:$0x4] =	wrdreg s24  }
0xb3: {  	[dreg:$0x5] =	wrdreg s4  }
0xb4: {  	[dreg:$0x6] =	wrdreg $0x9  }
0xb5: {  	_ =	task.clear_ibuf [dreg:s9], $0x7FFFF;
	_ =	strace $0x90000046  }
0xb6: {  	s29 =	simm.s32 $0x9;
	_ =	strace $0x80000048  }
0xb7: {  	_ =	swait.ge [sflag:s29], $0x1  }
0xb8: {  	[sflag:s29] =	ssyncadd.s32 $0xFFFFFFFF  }
0xb9: {  	_ =	strace $0x90000048  }
0xba: {  	_ =	sfence  }
0xbb: {  	s30 =	sld [smem:$0x0];
	_ =	sdelay $0x2  }
0xbc: {  	s31 =	sshll.u32 s1, $0xD;
	s1 =	sshrl.u32 s1, $0x2  }
0xbd: {  	s3 =	sand.u32 $0x4000, s31;
	s1 =	sadd.s32 s1, s30  }
0xbe: {  	s0 =	sor.u32 s3, s0;
	s1 =	sshll.u32 s1, $0x11  }
0xbf: {  	s0 =	sor.u32 s1, s0  }
0xc0: {  	s0 =	sadd.s32 $0x8F2B, s0  }
0xc1: {  	[sflag:s0] =	ssyncadd.remote.s32 $0x1  }
0xc2: {  	_ =	sfence.sel $0xFFFF  }
0xc3: {  	[dreg:$0x0] =	wrdreg $0xFFFFFFFF;
	(pc) =	sbr.abs _section_cstart, $3  }
0xc4: {  	[dreg:$0x1] =	wrdreg $0xFFFFFFFF  }
0xc5: {  	_ =	task.clear_ibuf [dreg:s9], $0x2FFFF;
	_ =	strace $0x9FFFFFFF  }
0xc6: {  	(tm) =	ssettm $0x7FFFFFFF  }
0xc7: {  	_ =	shalt  }
tec
execute0_lowered:
.L_overlay_start_1:
0x0: {  	(tag) =	ssettag $0x1  }
0x1: {  	s5 =	rddreg [dreg:$0x0]  }
0x2: {  	s1 =	rddreg [dreg:$0x1]  }
0x3: {  	s4 =	rddreg [dreg:$0x2]  }
0x4: {  	s6 =	rddreg [dreg:$0x3]  }
0x5: {  	s0 =	rddreg [dreg:$0x4];
	s3 =	simm.s32 $0x0;
	s7 =	srdreg.scid  }
0x6: {  	s2 =	stileid.u32;
	s11 =	simm.s32 $0x0;
	[smem:$0x7FF] =	sst s3  }
0x7: {  	s7 =	sand.u32 $0x1, s7;
	s9 =	sshll.u32 s2, $0xE;
	s4 =	sadd.s32 $0x400, s4  }
0x8: {  	s8 =	ssub.s32 $0x2, s7;
	s7 =	sshll.u32 s7, $0xD;
	_ =	strace $0x80000047  }
0x9: {  	s10 =	sshrl.u32 s8, $0x1;
	s7 =	sor.u32 s7, s9;
	s9 =	simm.s32 $0x200  }
0xa: {  	s8 =	ssub.s32 s8, s10;
	s5 =	sadd.s32 s5, s7;
	s6 =	sadd.s32 s6, s7  }
0xb: {  	s10 =	simm.s32 $0x280;
	s7 =	smax.u32 s8, $0x1;
	s8 =	simm.s32 $0x1  }
.LBB2_1:
0xc: {  	[tilespmem:s3], [sflag:$0x1] =	stream.linear.gather [hbm4b:s1+s3], $0x180, $0x38;
	[tilespmem:$0x10280] =	vst v63  }
0xd: {  	_ =	swait.ge [sflag:s8], $0x180  }
0xe: {  	[sflag:s8] =	ssyncset.done $0x0  }
0xf: {  	[sflag:s8] =	ssyncadd.s32 $0xFFFFFE80  }
0x10: {  	[tilespmem:s9], [sflag:$0x1] =	stream.linear.gather [hbm4b:s4+s3], $0x80, $0x38;
	[tilespmem:$0x10280] =	vst v63  }
0x11: {  	_ =	swait.ge [sflag:s8], $0x80  }
0x12: {  	[sflag:s8] =	ssyncset.done $0x0  }
0x13: {  	[sflag:s8] =	ssyncadd.s32 $0xFFFFFF80  }
0x14: {  	v0 =	vld [tilespmem:$0x200]  }
0x15: {  	v1 =	vld [tilespmem:$0x0]  }
0x16: {  	v2 =	vld [tilespmem:$0x80]  }
0x17: {  	v3 =	vld [tilespmem:$0x100]  }
0x18: {  	v4 =	vld [tilespmem:$0x10]  }
0x19: {  	v5 =	vld [tilespmem:$0x90]  }
0x1a: {  	v6 =	vld [tilespmem:$0x110]  }
0x1b: {  	v7 =	vld [tilespmem:$0x20]  }
0x1c: {  	v9 =	vld [tilespmem:$0xA0]  }
0x1d: {  	v10 =	vld [tilespmem:$0x120]  }
0x1e: {  	v11 =	vld [tilespmem:$0x30]  }
0x1f: {  	v12 =	vld [tilespmem:$0xB0]  }
0x20: {  	v13 =	vld [tilespmem:$0x130]  }
0x21: {  	v14 =	vld [tilespmem:$0x40]  }
0x22: {  	v15 =	vld [tilespmem:$0xC0]  }
0x23: {  	v16 =	vld [tilespmem:$0x140]  }
0x24: {  	v17 =	vld [tilespmem:$0x50]  }
0x25: {  	v18 =	vld [tilespmem:$0xD0]  }
0x26: {  	v19 =	vld [tilespmem:$0x150]  }
0x27: {  	v20 =	vld [tilespmem:$0x60]  }
0x28: {  	v21 =	vld [tilespmem:$0xE0]  }
0x29: {  	v22 =	vld [tilespmem:$0x160]  }
0x2a: {  	v23 =	vld [tilespmem:$0x70]  }
0x2b: {  	v24 =	vld [tilespmem:$0xF0]  }
0x2c: {  	v25 =	vld [tilespmem:$0x170];
	[tilespmem:s10], [sflag:$0x1] =	stream.linear.gather [hbm4b:s5+s3], $0x10000, $0x38  }
0x2d: {  	_ =	swait.ge [sflag:s8], $0x10000  }
0x2e: {  	[sflag:s8] =	ssyncset.done $0x0  }
0x2f: {  	s12 =	simm.s32 $0x0;
	[sflag:s8] =	ssyncadd.s32 $0xFFFF0000  }
0x30: {  	v26 =	vld [tilespmem:s12+$0x2F0];
	vm0 =	veq.s32 v0, $0x1  }
0x31: {  	v27 =	vld [tilespmem:s12+$0x280];
	vm1 =	veq.s32 v0, $0x0;
	v0 =	vsel vm0, v2, v3  }
0x32: {  	v28 =	vld [tilespmem:s12+$0x290];
	v2 =	vsel vm0, v5, v6;
	v5 =	vsel vm0, v24, v25;
	v6 =	vsel vm0, v21, v22  }
0x33: {  	v8 =	vld [tilespmem:s12+$0x2A0];
	v1 =	vsel vm1, v1, v0;
	v0 =	vsel vm1, v4, v2;
	v2 =	vsel vm0, v9, v10  }
0x34: {  	v4 =	vsel vm0, v12, v13;
	v9 =	vld [tilespmem:s12+$0x2B0];
	v3 =	vsel vm1, v7, v2;
	v7 =	vsel vm1, v23, v5  }
0x35: {  	v10 =	vld [tilespmem:s12+$0x2C0];
	v2 =	vsel vm1, v11, v4;
	v4 =	vsel vm0, v15, v16;
	v15 =	vadd.f32 v26, v7  }
0x36: {  	v6 =	vsel vm1, v20, v6;
	v5 =	vsel vm0, v18, v19;
	v11 =	vld [tilespmem:s12+$0x2D0];
	v13 =	vadd.f32 v27, v1  }
0x37: {  	s13 =	simm.s32 $0x80;
	s14 =	simm.s32 $0x400;
	v12 =	vld [tilespmem:s12+$0x2E0];
	v4 =	vsel vm1, v14, v4;
	v5 =	vsel vm1, v17, v5;
	v14 =	vadd.f32 v28, v0;
	[tilespmem:s12+$0x2F0] =	vst v15  }
.LBB2_2:
0x38: {  	p0 =	sne.s32 s14, $0x3FE00;
	v15 =	vld [tilespmem:s13+$0x2F0];
	[tilespmem:s12+$0x280] =	vst v13;
	v8 =	vadd.f32 v8, v3  }
0x39: {  	v13 =	vld [tilespmem:s13+$0x280];
	[tilespmem:s12+$0x290] =	vst v14;
	v9 =	vadd.f32 v9, v2  }
0x3a: {  	v14 =	vld [tilespmem:s13+$0x290];
	[tilespmem:s12+$0x2A0] =	vst v8;
	v10 =	vadd.f32 v10, v4  }
.Ltmp0:
0x3b: {  	v8 =	vld [tilespmem:s13+$0x2A0];
	[tilespmem:s12+$0x2B0] =	vst v9;
	v11 =	vadd.f32 v11, v5;
	(pc) =	sbr.rel @p0 .LBB2_2-.Ltmp0, $4  }
0x3c: {  	v9 =	vld [tilespmem:s13+$0x2B0];
	[tilespmem:s12+$0x2C0] =	vst v10;
	v12 =	vadd.f32 v12, v6  }
0x3d: {  	v10 =	vld [tilespmem:s13+$0x2C0];
	v15 =	vadd.f32 v15, v7;
	[tilespmem:s12+$0x2D0] =	vst v11  }
0x3e: {  	v13 =	vadd.f32 v13, v1;
	v11 =	vld [tilespmem:s13+$0x2D0];
	[tilespmem:s12+$0x2E0] =	vst v12;
	s12 =	smov.u32 s13  }
0x3f: {  	s13 =	sshra.s32 s14, $0x2;
	s14 =	sadd.s32 $0x200, s14;
	v14 =	vadd.f32 v14, v0;
	v12 =	vld [tilespmem:s12+$0x2E0];
	[tilespmem:s12+$0x2F0] =	vst v15  }
0x40: {  	v15 =	vld [tilespmem:s13+$0x2F0];
	[tilespmem:s12+$0x280] =	vst v13;
	v8 =	vadd.f32 v8, v3  }
0x41: {  	v49 =	vld [tilespmem:s13+$0x280];
	[tilespmem:s12+$0x290] =	vst v14;
	v9 =	vadd.f32 v9, v2  }
0x42: {  	v50 =	vld [tilespmem:s13+$0x290];
	[tilespmem:s12+$0x2A0] =	vst v8;
	v51 =	vadd.f32 v10, v4  }
0x43: {  	v52 =	vld [tilespmem:s13+$0x2A0];
	[tilespmem:s12+$0x2B0] =	vst v9;
	v53 =	vadd.f32 v11, v5  }
0x44: {  	v54 =	vld [tilespmem:s13+$0x2B0];
	[tilespmem:s12+$0x2C0] =	vst v51;
	v55 =	vadd.f32 v12, v6  }
0x45: {  	v56 =	vld [tilespmem:s13+$0x2C0];
	v7 =	vadd.f32 v15, v7;
	[tilespmem:s12+$0x2D0] =	vst v53  }
0x46: {  	v57 =	vld [tilespmem:s13+$0x2D0];
	v1 =	vadd.f32 v49, v1;
	[tilespmem:s12+$0x2E0] =	vst v55  }
0x47: {  	v58 =	vld [tilespmem:s13+$0x2E0];
	v0 =	vadd.f32 v50, v0;
	[tilespmem:s13+$0x2F0] =	vst v7  }
0x48: {  	v59 =	vadd.f32 v52, v3;
	[tilespmem:s13+$0x280] =	vst v1  }
0x49: {  	v60 =	vadd.f32 v54, v2;
	[tilespmem:s13+$0x290] =	vst v0  }
0x4a: {  	v61 =	vadd.f32 v56, v4;
	[tilespmem:s13+$0x2A0] =	vst v59  }
0x4b: {  	v62 =	vadd.f32 v57, v5;
	[tilespmem:s13+$0x2B0] =	vst v60  }
0x4c: {  	s11 =	sadd.s32 $0x1, s11;
	v63 =	vadd.f32 v58, v6;
	[tilespmem:s13+$0x2C0] =	vst v61  }
0x4d: {  	p0 =	sne.s32 s11, s7;
	[tilespmem:s13+$0x2D0] =	vst v62  }
.Ltmp1:
0x4e: {  	[tilespmem:s13+$0x2E0] =	vst v63;
	(pc) =	sbr.rel @p0 .LBB2_1-.Ltmp1, $4  }
0x4f: {  	[hbm4b:s6+s3] =	stream.linear.scatter [tilespmem:s10], [sflag:$0x1], $0x10000, $0x38;
	[tilespmem:$0x10280] =	vst v63  }
0x50: {  	_ =	swait.ge [sflag:s8], $0x10000  }
0x51: {  	[sflag:s8] =	ssyncset.done $0x0  }
0x52: {  	[sflag:s8] =	ssyncadd.s32 $0xFFFF0000  }
0x53: {  	_ =	sfence.sel $0x180000  }
0x54: {  	[bflag:$0x0] =	sbarrier.arrive $0xFFFF  }
0x55: {  	p0 =	sne.s32 s2, $0x0;
	_ =	strace $0x90000047  }
0x56: {  	s0 =	sadd.s32 @!p0 $0x100000, s0;
	[bflag:$0x2] =	sbarrier.arrive $0xFFFF  }
0x57: {  	[sflag:s0] =	ssyncadd.tile.s32 @!p0 $0x1;
	_ =	shalt  }
.Lfunc_end2:
_tile_overlayer_lowered:
.L_overlay_start_2:
0x58: {  	(tag) =	ssettag $0x2  }
0x59: {  	s0 =	rddreg [dreg:$0x0];
	s2 =	stileid.u32  }
0x5a: {  	s1 =	rddreg [dreg:$0x1];
	p0 =	sne.s32 s2, $0x0  }
0x5b: {  	s3 =	rddreg [dreg:$0x2];
	[bflag:$0x3] =	sbarrier.arrive $0xFFFF;
	s2 =	simm.s32 @!p0 $0x1C01  }
0x5c: {  	[timem:s3], [sflag:s2] =	dma.local @!p0 [hbm:s0], s1  }
0x5d: {  	s0 =	simm.s32 @!p0 $0x1  }
0x5e: {  	_ =	swait.ge @!p0 [sflag:s0], s1  }
0x5f: {  	s1 =	ssub.s32 @!p0 $0x0, s1;
	[sflag:s0] =	ssyncset.done @!p0 $0x0  }
0x60: {  	[sflag:s0] =	ssyncadd.s32 @!p0 s1  }
0x61: {  	[bflag:$0x3] =	sbarrier.arrive $0xFFFF  }
0x62: {  	_ =	shalt  }

</sc_bundles>
